<compile_context>
chip_gen: v7x
topology: tpu7x:2x2x1
jax: 0.10.2.dev20260603
libtpu: 0.0.44.dev20260713+nightly
codegen_flags: <defaults>
</compile_context>

<pallas_src>
import functools

import jax
import jax.numpy as jnp
from jax import lax
from jax.experimental import pallas as pl
from jax.experimental.pallas import tpu as pltpu
from jax.experimental.pallas import tpu_sc as plsc

B = 4096
ED = 128
NU = 10
DEEP_IN = 3 * ED + NU
K1 = 400
H1, H2, H3 = 1024, 512, 256
WIDE = 256

NC, NS = 2, 16
NW = NC * NS
B_PER_W = B // NW

BB = 1024
GRID = B // BB

_NT = (((1,), (1,)), ((), ()))


def _sc_gather_body(ut_hbm, st_hbm, ct_hbm, uid_hbm, sid_hbm, cid_hbm,
                    numx_hbm, out_x,
                    idx_u, idx_s, idx_c, rows_u, rows_s, rows_c, rows_n,
                    sem_u, sem_s, sem_c, sem_n):
    wid = lax.axis_index("s") * NC + lax.axis_index("c")
    base = wid * B_PER_W
    pltpu.sync_copy(uid_hbm.at[pl.ds(base, B_PER_W)], idx_u)
    pltpu.sync_copy(sid_hbm.at[pl.ds(base, B_PER_W)], idx_s)
    pltpu.sync_copy(cid_hbm.at[pl.ds(base, B_PER_W)], idx_c)
    g_u = pltpu.make_async_copy(ut_hbm.at[idx_u], rows_u, sem_u)
    g_s = pltpu.make_async_copy(st_hbm.at[idx_s], rows_s, sem_s)
    g_c = pltpu.make_async_copy(ct_hbm.at[idx_c], rows_c, sem_c)
    g_n = pltpu.make_async_copy(
        numx_hbm.at[pl.ds(base, B_PER_W)], rows_n, sem_n)
    g_u.start()
    g_s.start()
    g_c.start()
    g_n.start()
    g_u.wait()
    w_u = pltpu.make_async_copy(
        rows_u, out_x.at[pl.ds(base, B_PER_W), pl.ds(0, ED)], sem_u)
    w_u.start()
    g_s.wait()
    w_s = pltpu.make_async_copy(
        rows_s, out_x.at[pl.ds(base, B_PER_W), pl.ds(ED, ED)], sem_s)
    w_s.start()
    g_c.wait()
    w_c = pltpu.make_async_copy(
        rows_c, out_x.at[pl.ds(base, B_PER_W), pl.ds(2 * ED, ED)], sem_c)
    w_c.start()
    g_n.wait()
    w_n = pltpu.make_async_copy(
        rows_n, out_x.at[pl.ds(base, B_PER_W), pl.ds(3 * ED, K1 - 3 * ED)],
        sem_n)
    w_n.start()
    w_u.wait()
    w_s.wait()
    w_c.wait()
    w_n.wait()


@functools.lru_cache(maxsize=1)
def _sc_gather_kernel():
    return pl.kernel(
        _sc_gather_body,
        out_type=jax.ShapeDtypeStruct((B, K1), jnp.float32),
        mesh=plsc.VectorSubcoreMesh(core_axis_name="c",
                                    subcore_axis_name="s",
                                    num_cores=NC, num_subcores=NS),
        scratch_types=[
            pltpu.VMEM((B_PER_W,), jnp.int32),
            pltpu.VMEM((B_PER_W,), jnp.int32),
            pltpu.VMEM((B_PER_W,), jnp.int32),
            pltpu.VMEM((B_PER_W, ED), jnp.float32),
            pltpu.VMEM((B_PER_W, ED), jnp.float32),
            pltpu.VMEM((B_PER_W, ED), jnp.float32),
            pltpu.VMEM((B_PER_W, K1 - 3 * ED), jnp.float32),
            pltpu.SemaphoreType.DMA,
            pltpu.SemaphoreType.DMA,
            pltpu.SemaphoreType.DMA,
            pltpu.SemaphoreType.DMA,
        ],
    )


def _mlp_body(x_ref, wide_ref, w1_ref, b1c, w2_ref, b2, w3_ref, b3,
              wf1, wW, scal, out_ref, w1b, w2b, w3b):
    f32 = jnp.float32
    bf16 = jnp.bfloat16

    @pl.when(pl.program_id(0) == 0)
    def _cache_weights():
        w1b[:, :DEEP_IN] = w1_ref[:].astype(bf16)
        w1b[:, DEEP_IN:DEEP_IN + 1] = b1c[:].astype(bf16)
        w1b[:, DEEP_IN + 1:] = jnp.zeros((H1, K1 - DEEP_IN - 1), bf16)
        w2b[:] = w2_ref[:].astype(bf16)
        w3b[:] = w3_ref[:].astype(bf16)

    def nt(a, b):
        return lax.dot_general(a, b, _NT, preferred_element_type=f32)

    h = jnp.maximum(nt(x_ref[:].astype(bf16), w1b[:]), 0.0)
    h = jnp.maximum(nt(h.astype(bf16), w2b[:]) + b2[:], 0.0)
    h = jnp.maximum(nt(h.astype(bf16), w3b[:]) + b3[:], 0.0)
    wide_dot = jnp.sum(wide_ref[:] * wW[:], axis=1, keepdims=True)
    logit = nt(h, wf1[:]) + wide_dot + scal[0, 0]
    out_ref[:] = 1.0 / (1.0 + jnp.exp(-logit))


def _mlp_call(x, wide_features, W1, b1c, W2, b2, W3, b3, wf1, wWs, scal):
    def bspec(cols):
        return pl.BlockSpec((BB, cols), lambda i: (i, 0))

    def wspec(r, c):
        return pl.BlockSpec((r, c), lambda i: (0, 0))

    return pl.pallas_call(
        _mlp_body,
        grid=(GRID,),
        in_specs=[
            bspec(K1), bspec(WIDE),
            wspec(H1, DEEP_IN), wspec(H1, 1), wspec(H2, H1),
            wspec(1, H2), wspec(H3, H2), wspec(1, H3), wspec(1, H3),
            wspec(1, WIDE),
            pl.BlockSpec(memory_space=pltpu.SMEM),
        ],
        out_specs=pl.BlockSpec((BB, 1), lambda i: (i, 0)),
        out_shape=jax.ShapeDtypeStruct((B, 1), jnp.float32),
        scratch_shapes=[
            pltpu.VMEM((H1, K1), jnp.bfloat16),
            pltpu.VMEM((H2, H1), jnp.bfloat16),
            pltpu.VMEM((H3, H2), jnp.bfloat16),
        ],
        compiler_params=pltpu.CompilerParams(
            dimension_semantics=("arbitrary",)),
    )(x, wide_features, W1, b1c, W2, b2, W3, b3, wf1, wWs, scal)


def kernel(wide_features, user_ids, shop_ids, category_ids,
           numerical_features, wide_W, wide_b, user_table, shop_table,
           cat_table, W1, b1, W2, b2, W3, b3, Wf, bf):
    uid = user_ids.astype(jnp.int32)
    sid = shop_ids.astype(jnp.int32)
    cid = category_ids.astype(jnp.int32)

    numx = jnp.concatenate(
        [numerical_features,
         jnp.ones((B, 1), jnp.float32),
         jnp.zeros((B, K1 - DEEP_IN - 1), jnp.float32)], axis=1)

    x = _sc_gather_kernel()(
        user_table, shop_table, cat_table, uid, sid, cid, numx)

    wf1 = Wf[:, 1:]
    wWs = wide_W * Wf[0, 0]
    cb = (bf + wide_b * Wf[0, 0]).reshape(1, 1)

    return _mlp_call(
        x, wide_features, W1, b1.reshape(H1, 1), W2, b2.reshape(1, H2),
        W3, b3.reshape(1, H3), wf1, wWs, cb)

# --- scband reference (transcript-rebuilt; emitter-appended) ---
"""Pipeline reference for scband-wide-and-deep-ranking-model-63591285785164 (READ-ONLY COPY).

The authoritative reference and input builder live on the scoring server;
editing this copy changes nothing except your own understanding.
"""

import jax, jax.numpy as jnp
import numpy as np

B = 4096
WIDE = 256
ED = 128
NU = 10
MAX_USER = 1000000
MAX_SHOP = 100000
MAX_CAT = 1000
H1, H2, H3 = 1024, 512, 256
DEEP_IN = ED * 3 + NU


def setup_inputs(seed: int = 0) -> dict:
    key = jax.random.key(seed)
    ks = jax.random.split(key, 20)
    inp = {}
    inp["wide_features"] = jax.random.normal(ks[0], (B, WIDE), dtype=jnp.float32)
    inp["user_ids"] = jax.random.randint(ks[1], (B,), 0, MAX_USER)
    inp["shop_ids"] = jax.random.randint(ks[2], (B,), 0, MAX_SHOP)
    inp["category_ids"] = jax.random.randint(ks[3], (B,), 0, MAX_CAT)
    inp["numerical_features"] = jax.random.normal(ks[4], (B, NU), dtype=jnp.float32)
    # parameters
    inp["wide_W"] = jax.random.normal(ks[5], (1, WIDE), dtype=jnp.float32) * 0.05
    inp["wide_b"] = jnp.zeros((1,), dtype=jnp.float32)
    inp["user_table"] = jax.random.normal(ks[6], (MAX_USER, ED), dtype=jnp.float32) * 0.1
    inp["shop_table"] = jax.random.normal(ks[7], (MAX_SHOP, ED), dtype=jnp.float32) * 0.1
    inp["cat_table"] = jax.random.normal(ks[8], (MAX_CAT, ED), dtype=jnp.float32) * 0.1
    inp["W1"] = jax.random.normal(ks[9], (H1, DEEP_IN), dtype=jnp.float32) * (1.0 / np.sqrt(DEEP_IN))
    inp["b1"] = jnp.zeros((H1,), dtype=jnp.float32)
    inp["W2"] = jax.random.normal(ks[10], (H2, H1), dtype=jnp.float32) * (1.0 / np.sqrt(H1))
    inp["b2"] = jnp.zeros((H2,), dtype=jnp.float32)
    inp["W3"] = jax.random.normal(ks[11], (H3, H2), dtype=jnp.float32) * (1.0 / np.sqrt(H2))
    inp["b3"] = jnp.zeros((H3,), dtype=jnp.float32)
    inp["Wf"] = jax.random.normal(ks[12], (1, H3 + 1), dtype=jnp.float32) * (1.0 / np.sqrt(H3 + 1))
    inp["bf"] = jnp.zeros((1,), dtype=jnp.float32)
    return inp


def reference(wide_features, user_ids, shop_ids, category_ids, numerical_features,
              wide_W, wide_b, user_table, shop_table, cat_table,
              W1, b1, W2, b2, W3, b3, Wf, bf):
    # Wide part
    wide_out = wide_features @ wide_W.T + wide_b
    # Deep part: embedding lookups (gathers)
    user_emb = jnp.take(user_table, user_ids, axis=0)
    shop_emb = jnp.take(shop_table, shop_ids, axis=0)
    cat_emb = jnp.take(cat_table, category_ids, axis=0)
    deep_input = jnp.concatenate([user_emb, shop_emb, cat_emb, numerical_features], axis=1)
    h = jax.nn.relu(deep_input @ W1.T + b1)
    h = jax.nn.relu(h @ W2.T + b2)
    h = jax.nn.relu(h @ W3.T + b3)
    # dropout is identity in eval mode
    combined = jnp.concatenate([wide_out, h], axis=1)
    final_output = combined @ Wf.T + bf
    return jax.nn.sigmoid(final_output)

if __name__ == "__main__":
    import jax
    _d = setup_inputs()
    print(jax.jit(kernel)(*tuple(_d.values())))

</pallas_src>

<mosaic_0001>
#map = affine_map<(d0, d1) -> (0, 0)>
#map1 = affine_map<(d0, d1) -> (0)>
module attributes {stable_mosaic.version = 14 : i64} {
  func.func @_sc_gather_body(%arg0: i32, %arg1: i32, %arg2: memref<1000000x128xf32, #tpu.memory_space<hbm>>, %arg3: memref<100000x128xf32, #tpu.memory_space<hbm>>, %arg4: memref<1000x128xf32, #tpu.memory_space<hbm>>, %arg5: memref<4096xi32, #tpu.memory_space<hbm>>, %arg6: memref<4096xi32, #tpu.memory_space<hbm>>, %arg7: memref<4096xi32, #tpu.memory_space<hbm>>, %arg8: memref<4096x16xf32, #tpu.memory_space<hbm>>, %arg9: memref<4096x400xf32, #tpu.memory_space<hbm>>, %arg10: memref<128xi32, #tpu.memory_space<vmem>>, %arg11: memref<128xi32, #tpu.memory_space<vmem>>, %arg12: memref<128xi32, #tpu.memory_space<vmem>>, %arg13: memref<128x128xf32, #tpu.memory_space<vmem>>, %arg14: memref<128x128xf32, #tpu.memory_space<vmem>>, %arg15: memref<128x128xf32, #tpu.memory_space<vmem>>, %arg16: memref<128x16xf32, #tpu.memory_space<vmem>>, %arg17: memref<!tpu.dma_semaphore, #tpu.memory_space<semaphore_mem>>, %arg18: memref<!tpu.dma_semaphore, #tpu.memory_space<semaphore_mem>>, %arg19: memref<!tpu.dma_semaphore, #tpu.memory_space<semaphore_mem>>, %arg20: memref<!tpu.dma_semaphore, #tpu.memory_space<semaphore_mem>>) attributes {dimension_semantics = [#tpu.dimension_semantics<core_parallel>, #tpu.dimension_semantics<subcore_parallel>], iteration_bounds = array<i64: 2, 16>, scalar_prefetch = 0 : i64, scratch_operands = 11 : i64, tpu.core_type = #tpu.core_type<sc_vector_subcore>, window_params = [{transform_indices = #map}, {transform_indices = #map}, {transform_indices = #map}, {transform_indices = #map1}, {transform_indices = #map1}, {transform_indices = #map1}, {transform_indices = #map}, {transform_indices = #map}]} {
    %mul3A = arith.constant 2 : i32
    %mul3A_0 = arith.muli %arg1, %mul3A : i32
    %add3A = arith.addi %mul3A_0, %arg0 : i32
    %mul3A_1 = arith.constant 128 : i32
    %mul3A_2 = arith.muli %add3A, %mul3A_1 : i32
    "tpu.region"() ({
      %run_scoped3A = tpu.sem_alloc : memref<!tpu.dma_semaphore, #tpu.memory_space<semaphore_mem>>
      %dma_start3A_59 = tpu.memref_slice %arg5[%mul3A_2] : memref<4096xi32, #tpu.memory_space<hbm>> -> memref<128xi32, #tpu.memory_space<hbm>>
      %dma_start3A_60 = tpu.memref_slice %arg5[%mul3A_2] : memref<4096xi32, #tpu.memory_space<hbm>> -> memref<128xi32, #tpu.memory_space<hbm>>
      tpu.enqueue_dma source(%dma_start3A_60 : memref<128xi32, #tpu.memory_space<hbm>>) target(%arg10 : memref<128xi32, #tpu.memory_space<vmem>>) target_semaphore(%run_scoped3A : memref<!tpu.dma_semaphore, #tpu.memory_space<semaphore_mem>>)
      %dma_wait3A_61 = tpu.memref_slice %arg5[%mul3A_2] : memref<4096xi32, #tpu.memory_space<hbm>> -> memref<128xi32, #tpu.memory_space<hbm>>
      %dma_wait3A_62 = tpu.memref_slice %arg5[%mul3A_2] : memref<4096xi32, #tpu.memory_space<hbm>> -> memref<128xi32, #tpu.memory_space<hbm>>
      tpu.wait_dma2 semaphore(%run_scoped3A : memref<!tpu.dma_semaphore, #tpu.memory_space<semaphore_mem>>) src(%dma_wait3A_62 : memref<128xi32, #tpu.memory_space<hbm>>) dst(%arg10 : memref<128xi32, #tpu.memory_space<vmem>>)
      tpu.yield
    }) : () -> ()
    "tpu.region"() ({
      %run_scoped3A = tpu.sem_alloc : memref<!tpu.dma_semaphore, #tpu.memory_space<semaphore_mem>>
      %dma_start3A_59 = tpu.memref_slice %arg6[%mul3A_2] : memref<4096xi32, #tpu.memory_space<hbm>> -> memref<128xi32, #tpu.memory_space<hbm>>
      %dma_start3A_60 = tpu.memref_slice %arg6[%mul3A_2] : memref<4096xi32, #tpu.memory_space<hbm>> -> memref<128xi32, #tpu.memory_space<hbm>>
      tpu.enqueue_dma source(%dma_start3A_60 : memref<128xi32, #tpu.memory_space<hbm>>) target(%arg11 : memref<128xi32, #tpu.memory_space<vmem>>) target_semaphore(%run_scoped3A : memref<!tpu.dma_semaphore, #tpu.memory_space<semaphore_mem>>)
      %dma_wait3A_61 = tpu.memref_slice %arg6[%mul3A_2] : memref<4096xi32, #tpu.memory_space<hbm>> -> memref<128xi32, #tpu.memory_space<hbm>>
      %dma_wait3A_62 = tpu.memref_slice %arg6[%mul3A_2] : memref<4096xi32, #tpu.memory_space<hbm>> -> memref<128xi32, #tpu.memory_space<hbm>>
      tpu.wait_dma2 semaphore(%run_scoped3A : memref<!tpu.dma_semaphore, #tpu.memory_space<semaphore_mem>>) src(%dma_wait3A_62 : memref<128xi32, #tpu.memory_space<hbm>>) dst(%arg11 : memref<128xi32, #tpu.memory_space<vmem>>)
      tpu.yield
    }) : () -> ()
    "tpu.region"() ({
      %run_scoped3A = tpu.sem_alloc : memref<!tpu.dma_semaphore, #tpu.memory_space<semaphore_mem>>
      %dma_start3A_59 = tpu.memref_slice %arg7[%mul3A_2] : memref<4096xi32, #tpu.memory_space<hbm>> -> memref<128xi32, #tpu.memory_space<hbm>>
      %dma_start3A_60 = tpu.memref_slice %arg7[%mul3A_2] : memref<4096xi32, #tpu.memory_space<hbm>> -> memref<128xi32, #tpu.memory_space<hbm>>
      tpu.enqueue_dma source(%dma_start3A_60 : memref<128xi32, #tpu.memory_space<hbm>>) target(%arg12 : memref<128xi32, #tpu.memory_space<vmem>>) target_semaphore(%run_scoped3A : memref<!tpu.dma_semaphore, #tpu.memory_space<semaphore_mem>>)
      %dma_wait3A_61 = tpu.memref_slice %arg7[%mul3A_2] : memref<4096xi32, #tpu.memory_space<hbm>> -> memref<128xi32, #tpu.memory_space<hbm>>
      %dma_wait3A_62 = tpu.memref_slice %arg7[%mul3A_2] : memref<4096xi32, #tpu.memory_space<hbm>> -> memref<128xi32, #tpu.memory_space<hbm>>
      tpu.wait_dma2 semaphore(%run_scoped3A : memref<!tpu.dma_semaphore, #tpu.memory_space<semaphore_mem>>) src(%dma_wait3A_62 : memref<128xi32, #tpu.memory_space<hbm>>) dst(%arg12 : memref<128xi32, #tpu.memory_space<vmem>>)
      tpu.yield
    }) : () -> ()
    %dma_start3A = arith.constant 0 : i32
    %dma_start3A_3 = arith.constant 0 : i32
    %dma_start3A_4 = tpu.memref_slice %arg2[%dma_start3A, %dma_start3A_3] : memref<1000000x128xf32, #tpu.memory_space<hbm>> -> memref<1000000x128xf32, #tpu.memory_space<hbm>>
    tpu.enqueue_indirect_dma source(%dma_start3A_4 : memref<1000000x128xf32, #tpu.memory_space<hbm>>) target(%arg13 : memref<128x128xf32, #tpu.memory_space<vmem>>) offsets(%arg10 : memref<128xi32, #tpu.memory_space<vmem>>) semaphore(%arg17 : memref<!tpu.dma_semaphore, #tpu.memory_space<semaphore_mem>>)
    %dma_start3A_5 = arith.constant 0 : i32
    %dma_start3A_6 = arith.constant 0 : i32
    %dma_start3A_7 = tpu.memref_slice %arg3[%dma_start3A_5, %dma_start3A_6] : memref<100000x128xf32, #tpu.memory_space<hbm>> -> memref<100000x128xf32, #tpu.memory_space<hbm>>
    tpu.enqueue_indirect_dma source(%dma_start3A_7 : memref<100000x128xf32, #tpu.memory_space<hbm>>) target(%arg14 : memref<128x128xf32, #tpu.memory_space<vmem>>) offsets(%arg11 : memref<128xi32, #tpu.memory_space<vmem>>) semaphore(%arg18 : memref<!tpu.dma_semaphore, #tpu.memory_space<semaphore_mem>>)
    %dma_start3A_8 = arith.constant 0 : i32
    %dma_start3A_9 = arith.constant 0 : i32
    %dma_start3A_10 = tpu.memref_slice %arg4[%dma_start3A_8, %dma_start3A_9] : memref<1000x128xf32, #tpu.memory_space<hbm>> -> memref<1000x128xf32, #tpu.memory_space<hbm>>
    tpu.enqueue_indirect_dma source(%dma_start3A_10 : memref<1000x128xf32, #tpu.memory_space<hbm>>) target(%arg15 : memref<128x128xf32, #tpu.memory_space<vmem>>) offsets(%arg12 : memref<128xi32, #tpu.memory_space<vmem>>) semaphore(%arg19 : memref<!tpu.dma_semaphore, #tpu.memory_space<semaphore_mem>>)
    %dma_start3A_11 = arith.constant 0 : i32
    %dma_start3A_12 = tpu.memref_slice %arg8[%mul3A_2, %dma_start3A_11] : memref<4096x16xf32, #tpu.memory_space<hbm>> -> memref<128x16xf32, #tpu.memory_space<hbm>>
    %dma_start3A_13 = arith.constant 0 : i32
    %dma_start3A_14 = tpu.memref_slice %arg8[%mul3A_2, %dma_start3A_13] : memref<4096x16xf32, #tpu.memory_space<hbm>> -> memref<128x16xf32, #tpu.memory_space<hbm>>
    tpu.enqueue_dma source(%dma_start3A_14 : memref<128x16xf32, #tpu.memory_space<hbm>>) target(%arg16 : memref<128x16xf32, #tpu.memory_space<vmem>>) target_semaphore(%arg20 : memref<!tpu.dma_semaphore, #tpu.memory_space<semaphore_mem>>)
    %dma_wait3A = arith.constant 0 : i32
    %dma_wait3A_15 = arith.constant 0 : i32
    %dma_wait3A_16 = tpu.memref_slice %arg2[%dma_wait3A, %dma_wait3A_15] : memref<1000000x128xf32, #tpu.memory_space<hbm>> -> memref<1000000x128xf32, #tpu.memory_space<hbm>>
    tpu.wait_indirect_dma semaphore(%arg17 : memref<!tpu.dma_semaphore, #tpu.memory_space<semaphore_mem>>) src(%dma_wait3A_16 : memref<1000000x128xf32, #tpu.memory_space<hbm>>) dst(%arg13 : memref<128x128xf32, #tpu.memory_space<vmem>>)
    %dma_start3A_17 = arith.constant 0 : i32
    %dma_start3A_18 = tpu.memref_slice %arg9[%mul3A_2, %dma_start3A_17] : memref<4096x400xf32, #tpu.memory_space<hbm>> -> memref<128x128xf32, #tpu.memory_space<hbm>>
    %dma_start3A_19 = arith.constant 0 : i32
    %dma_start3A_20 = tpu.memref_slice %arg9[%mul3A_2, %dma_start3A_19] : memref<4096x400xf32, #tpu.memory_space<hbm>> -> memref<128x128xf32, #tpu.memory_space<hbm>>
    tpu.enqueue_dma source(%arg13 : memref<128x128xf32, #tpu.memory_space<vmem>>) target(%dma_start3A_20 : memref<128x128xf32, #tpu.memory_space<hbm>>) target_semaphore(%arg17 : memref<!tpu.dma_semaphore, #tpu.memory_space<semaphore_mem>>)
    %dma_wait3A_21 = arith.constant 0 : i32
    %dma_wait3A_22 = arith.constant 0 : i32
    %dma_wait3A_23 = tpu.memref_slice %arg3[%dma_wait3A_21, %dma_wait3A_22] : memref<100000x128xf32, #tpu.memory_space<hbm>> -> memref<100000x128xf32, #tpu.memory_space<hbm>>
    tpu.wait_indirect_dma semaphore(%arg18 : memref<!tpu.dma_semaphore, #tpu.memory_space<semaphore_mem>>) src(%dma_wait3A_23 : memref<100000x128xf32, #tpu.memory_space<hbm>>) dst(%arg14 : memref<128x128xf32, #tpu.memory_space<vmem>>)
    %dma_start3A_24 = arith.constant 128 : i32
    %dma_start3A_25 = tpu.memref_slice %arg9[%mul3A_2, %dma_start3A_24] : memref<4096x400xf32, #tpu.memory_space<hbm>> -> memref<128x128xf32, #tpu.memory_space<hbm>>
    %dma_start3A_26 = arith.constant 128 : i32
    %dma_start3A_27 = tpu.memref_slice %arg9[%mul3A_2, %dma_start3A_26] : memref<4096x400xf32, #tpu.memory_space<hbm>> -> memref<128x128xf32, #tpu.memory_space<hbm>>
    tpu.enqueue_dma source(%arg14 : memref<128x128xf32, #tpu.memory_space<vmem>>) target(%dma_start3A_27 : memref<128x128xf32, #tpu.memory_space<hbm>>) target_semaphore(%arg18 : memref<!tpu.dma_semaphore, #tpu.memory_space<semaphore_mem>>)
    %dma_wait3A_28 = arith.constant 0 : i32
    %dma_wait3A_29 = arith.constant 0 : i32
    %dma_wait3A_30 = tpu.memref_slice %arg4[%dma_wait3A_28, %dma_wait3A_29] : memref<1000x128xf32, #tpu.memory_space<hbm>> -> memref<1000x128xf32, #tpu.memory_space<hbm>>
    tpu.wait_indirect_dma semaphore(%arg19 : memref<!tpu.dma_semaphore, #tpu.memory_space<semaphore_mem>>) src(%dma_wait3A_30 : memref<1000x128xf32, #tpu.memory_space<hbm>>) dst(%arg15 : memref<128x128xf32, #tpu.memory_space<vmem>>)
    %dma_start3A_31 = arith.constant 256 : i32
    %dma_start3A_32 = tpu.memref_slice %arg9[%mul3A_2, %dma_start3A_31] : memref<4096x400xf32, #tpu.memory_space<hbm>> -> memref<128x128xf32, #tpu.memory_space<hbm>>
    %dma_start3A_33 = arith.constant 256 : i32
    %dma_start3A_34 = tpu.memref_slice %arg9[%mul3A_2, %dma_start3A_33] : memref<4096x400xf32, #tpu.memory_space<hbm>> -> memref<128x128xf32, #tpu.memory_space<hbm>>
    tpu.enqueue_dma source(%arg15 : memref<128x128xf32, #tpu.memory_space<vmem>>) target(%dma_start3A_34 : memref<128x128xf32, #tpu.memory_space<hbm>>) target_semaphore(%arg19 : memref<!tpu.dma_semaphore, #tpu.memory_space<semaphore_mem>>)
    %dma_wait3A_35 = arith.constant 0 : i32
    %dma_wait3A_36 = tpu.memref_slice %arg8[%mul3A_2, %dma_wait3A_35] : memref<4096x16xf32, #tpu.memory_space<hbm>> -> memref<128x16xf32, #tpu.memory_space<hbm>>
    %dma_wait3A_37 = arith.constant 0 : i32
    %dma_wait3A_38 = tpu.memref_slice %arg8[%mul3A_2, %dma_wait3A_37] : memref<4096x16xf32, #tpu.memory_space<hbm>> -> memref<128x16xf32, #tpu.memory_space<hbm>>
    tpu.wait_dma2 semaphore(%arg20 : memref<!tpu.dma_semaphore, #tpu.memory_space<semaphore_mem>>) src(%dma_wait3A_38 : memref<128x16xf32, #tpu.memory_space<hbm>>) dst(%arg16 : memref<128x16xf32, #tpu.memory_space<vmem>>)
    %dma_start3A_39 = arith.constant 384 : i32
    %dma_start3A_40 = tpu.memref_slice %arg9[%mul3A_2, %dma_start3A_39] : memref<4096x400xf32, #tpu.memory_space<hbm>> -> memref<128x16xf32, #tpu.memory_space<hbm>>
    %dma_start3A_41 = arith.constant 384 : i32
    %dma_start3A_42 = tpu.memref_slice %arg9[%mul3A_2, %dma_start3A_41] : memref<4096x400xf32, #tpu.memory_space<hbm>> -> memref<128x16xf32, #tpu.memory_space<hbm>>
    tpu.enqueue_dma source(%arg16 : memref<128x16xf32, #tpu.memory_space<vmem>>) target(%dma_start3A_42 : memref<128x16xf32, #tpu.memory_space<hbm>>) target_semaphore(%arg20 : memref<!tpu.dma_semaphore, #tpu.memory_space<semaphore_mem>>)
    %dma_wait3A_43 = arith.constant 0 : i32
    %dma_wait3A_44 = tpu.memref_slice %arg9[%mul3A_2, %dma_wait3A_43] : memref<4096x400xf32, #tpu.memory_space<hbm>> -> memref<128x128xf32, #tpu.memory_space<hbm>>
    %dma_wait3A_45 = arith.constant 0 : i32
    %dma_wait3A_46 = tpu.memref_slice %arg9[%mul3A_2, %dma_wait3A_45] : memref<4096x400xf32, #tpu.memory_space<hbm>> -> memref<128x128xf32, #tpu.memory_space<hbm>>
    tpu.wait_dma2 semaphore(%arg17 : memref<!tpu.dma_semaphore, #tpu.memory_space<semaphore_mem>>) src(%arg13 : memref<128x128xf32, #tpu.memory_space<vmem>>) dst(%dma_wait3A_46 : memref<128x128xf32, #tpu.memory_space<hbm>>)
    %dma_wait3A_47 = arith.constant 128 : i32
    %dma_wait3A_48 = tpu.memref_slice %arg9[%mul3A_2, %dma_wait3A_47] : memref<4096x400xf32, #tpu.memory_space<hbm>> -> memref<128x128xf32, #tpu.memory_space<hbm>>
    %dma_wait3A_49 = arith.constant 128 : i32
    %dma_wait3A_50 = tpu.memref_slice %arg9[%mul3A_2, %dma_wait3A_49] : memref<4096x400xf32, #tpu.memory_space<hbm>> -> memref<128x128xf32, #tpu.memory_space<hbm>>
    tpu.wait_dma2 semaphore(%arg18 : memref<!tpu.dma_semaphore, #tpu.memory_space<semaphore_mem>>) src(%arg14 : memref<128x128xf32, #tpu.memory_space<vmem>>) dst(%dma_wait3A_50 : memref<128x128xf32, #tpu.memory_space<hbm>>)
    %dma_wait3A_51 = arith.constant 256 : i32
    %dma_wait3A_52 = tpu.memref_slice %arg9[%mul3A_2, %dma_wait3A_51] : memref<4096x400xf32, #tpu.memory_space<hbm>> -> memref<128x128xf32, #tpu.memory_space<hbm>>
    %dma_wait3A_53 = arith.constant 256 : i32
    %dma_wait3A_54 = tpu.memref_slice %arg9[%mul3A_2, %dma_wait3A_53] : memref<4096x400xf32, #tpu.memory_space<hbm>> -> memref<128x128xf32, #tpu.memory_space<hbm>>
    tpu.wait_dma2 semaphore(%arg19 : memref<!tpu.dma_semaphore, #tpu.memory_space<semaphore_mem>>) src(%arg15 : memref<128x128xf32, #tpu.memory_space<vmem>>) dst(%dma_wait3A_54 : memref<128x128xf32, #tpu.memory_space<hbm>>)
    %dma_wait3A_55 = arith.constant 384 : i32
    %dma_wait3A_56 = tpu.memref_slice %arg9[%mul3A_2, %dma_wait3A_55] : memref<4096x400xf32, #tpu.memory_space<hbm>> -> memref<128x16xf32, #tpu.memory_space<hbm>>
    %dma_wait3A_57 = arith.constant 384 : i32
    %dma_wait3A_58 = tpu.memref_slice %arg9[%mul3A_2, %dma_wait3A_57] : memref<4096x400xf32, #tpu.memory_space<hbm>> -> memref<128x16xf32, #tpu.memory_space<hbm>>
    tpu.wait_dma2 semaphore(%arg20 : memref<!tpu.dma_semaphore, #tpu.memory_space<semaphore_mem>>) src(%arg16 : memref<128x16xf32, #tpu.memory_space<vmem>>) dst(%dma_wait3A_58 : memref<128x16xf32, #tpu.memory_space<hbm>>)
    return
  }
}

module attributes {stable_mosaic.version = 14 : i64} {
  func.func @_mlp_body(%arg0: i32, %arg1: memref<1024x400xf32, #tpu.memory_space<vmem>>, %arg2: memref<1024x256xf32, #tpu.memory_space<vmem>>, %arg3: memref<1024x394xf32, #tpu.memory_space<vmem>>, %arg4: memref<1024x1xf32, #tpu.memory_space<vmem>>, %arg5: memref<512x1024xf32, #tpu.memory_space<vmem>>, %arg6: memref<1x512xf32, #tpu.memory_space<vmem>>, %arg7: memref<256x512xf32, #tpu.memory_space<vmem>>, %arg8: memref<1x256xf32, #tpu.memory_space<vmem>>, %arg9: memref<1x256xf32, #tpu.memory_space<vmem>>, %arg10: memref<1x256xf32, #tpu.memory_space<vmem>>, %arg11: memref<1x1xf32, #tpu.memory_space<smem>>, %arg12: memref<1024x1xf32, #tpu.memory_space<vmem>>, %arg13: memref<1024x400xbf16, #tpu.memory_space<vmem>>, %arg14: memref<512x1024xbf16, #tpu.memory_space<vmem>>, %arg15: memref<256x512xbf16, #tpu.memory_space<vmem>>) attributes {dimension_semantics = [#tpu.dimension_semantics<arbitrary>], iteration_bounds = array<i64: 4>, scalar_prefetch = 0 : i64, scratch_operands = 3 : i64, tpu.core_type = #tpu.core_type<tc>, window_params = [{transform_indices = @transform_0, window_bounds = array<i64: 1024, 400>}, {transform_indices = @transform_1, window_bounds = array<i64: 1024, 256>}, {pipeline_mode = #tpu.pipeline_mode<synchronous>, transform_indices = @transform_2, window_bounds = array<i64: 1024, 394>}, {pipeline_mode = #tpu.pipeline_mode<synchronous>, transform_indices = @transform_3, window_bounds = array<i64: 1024, 1>}, {pipeline_mode = #tpu.pipeline_mode<synchronous>, transform_indices = @transform_4, window_bounds = array<i64: 512, 1024>}, {pipeline_mode = #tpu.pipeline_mode<synchronous>, transform_indices = @transform_5, window_bounds = array<i64: 1, 512>}, {pipeline_mode = #tpu.pipeline_mode<synchronous>, transform_indices = @transform_6, window_bounds = array<i64: 256, 512>}, {pipeline_mode = #tpu.pipeline_mode<synchronous>, transform_indices = @transform_7, window_bounds = array<i64: 1, 256>}, {pipeline_mode = #tpu.pipeline_mode<synchronous>, transform_indices = @transform_8, window_bounds = array<i64: 1, 256>}, {pipeline_mode = #tpu.pipeline_mode<synchronous>, transform_indices = @transform_9, window_bounds = array<i64: 1, 256>}, {transform_indices = @transform_10, window_bounds = array<i64: 1, 1>}, {transform_indices = @transform_11, window_bounds = array<i64: 1024, 1>}]} {
    %eq3A = arith.constant 0 : i32
    %eq3A_0 = arith.cmpi eq, %arg0, %eq3A : i32
    %convert_element_type3A = arith.extui %eq3A_0 : i1 to i32
    %cond3A = arith.constant 0 : i32
    %cond3A_1 = arith.cmpi ne, %convert_element_type3A, %cond3A : i32
    scf.if %cond3A_1 {
      %get3A_66 = arith.constant 0 : index
      %get3A_67 = arith.constant 0 : index
      %get3A_68 = vector.load %arg3[%get3A_66, %get3A_67] : memref<1024x394xf32, #tpu.memory_space<vmem>>, vector<1024x394xf32>
      %convert_element_type3A_69 = arith.truncf %get3A_68 : vector<1024x394xf32> to vector<1024x394xbf16>
      %swap3A_70 = arith.constant 0 : index
      %swap3A_71 = arith.constant 0 : index
      %swap3A_72 = vector.load %arg13[%swap3A_70, %swap3A_71] : memref<1024x400xbf16, #tpu.memory_space<vmem>>, vector<1024x394xbf16>
      tpu.vector_store %arg13[%swap3A_70, %swap3A_71], %convert_element_type3A_69 {strides = array<i32>} : memref<1024x400xbf16, #tpu.memory_space<vmem>>, vector<1024x394xbf16>,
      %get3A_73 = arith.constant 0 : index
      %get3A_74 = arith.constant 0 : index
      %get3A_75 = vector.load %arg4[%get3A_73, %get3A_74] : memref<1024x1xf32, #tpu.memory_space<vmem>>, vector<1024x1xf32>
      %convert_element_type3A_76 = arith.truncf %get3A_75 : vector<1024x1xf32> to vector<1024x1xbf16>
      %swap3A_77 = arith.constant 0 : index
      %swap3A_78 = arith.constant 394 : index
      %swap3A_79 = vector.load %arg13[%swap3A_77, %swap3A_78] : memref<1024x400xbf16, #tpu.memory_space<vmem>>, vector<1024x1xbf16>
      tpu.vector_store %arg13[%swap3A_77, %swap3A_78], %convert_element_type3A_76 {strides = array<i32>} : memref<1024x400xbf16, #tpu.memory_space<vmem>>, vector<1024x1xbf16>,
      %broadcast_in_dim3A_80 = arith.constant 0.000000e+00 : bf16
      %broadcast_in_dim3A_81 = vector.broadcast %broadcast_in_dim3A_80 : bf16 to vector<1024x5xbf16>
      %swap3A_82 = arith.constant 0 : index
      %swap3A_83 = arith.constant 395 : index
      %swap3A_84 = vector.load %arg13[%swap3A_82, %swap3A_83] : memref<1024x400xbf16, #tpu.memory_space<vmem>>, vector<1024x5xbf16>
      tpu.vector_store %arg13[%swap3A_82, %swap3A_83], %broadcast_in_dim3A_81 {strides = array<i32>} : memref<1024x400xbf16, #tpu.memory_space<vmem>>, vector<1024x5xbf16>,
      %get3A_85 = arith.constant 0 : index
      %get3A_86 = arith.constant 0 : index
      %get3A_87 = vector.load %arg5[%get3A_85, %get3A_86] : memref<512x1024xf32, #tpu.memory_space<vmem>>, vector<512x1024xf32>
      %convert_element_type3A_88 = arith.truncf %get3A_87 : vector<512x1024xf32> to vector<512x1024xbf16>
      %swap3A_89 = arith.constant 0 : index
      %swap3A_90 = arith.constant 0 : index
      %swap3A_91 = vector.load %arg14[%swap3A_89, %swap3A_90] : memref<512x1024xbf16, #tpu.memory_space<vmem>>, vector<512x1024xbf16>
      tpu.vector_store %arg14[%swap3A_89, %swap3A_90], %convert_element_type3A_88 {strides = array<i32>} : memref<512x1024xbf16, #tpu.memory_space<vmem>>, vector<512x1024xbf16>,
      %get3A_92 = arith.constant 0 : index
      %get3A_93 = arith.constant 0 : index
      %get3A_94 = vector.load %arg7[%get3A_92, %get3A_93] : memref<256x512xf32, #tpu.memory_space<vmem>>, vector<256x512xf32>
      %convert_element_type3A_95 = arith.truncf %get3A_94 : vector<256x512xf32> to vector<256x512xbf16>
      %swap3A_96 = arith.constant 0 : index
      %swap3A_97 = arith.constant 0 : index
      %swap3A_98 = vector.load %arg15[%swap3A_96, %swap3A_97] : memref<256x512xbf16, #tpu.memory_space<vmem>>, vector<256x512xbf16>
      tpu.vector_store %arg15[%swap3A_96, %swap3A_97], %convert_element_type3A_95 {strides = array<i32>} : memref<256x512xbf16, #tpu.memory_space<vmem>>, vector<256x512xbf16>,
    } else {
    }
    %get3A = arith.constant 0 : index
    %get3A_2 = arith.constant 0 : index
    %get3A_3 = vector.load %arg1[%get3A, %get3A_2] : memref<1024x400xf32, #tpu.memory_space<vmem>>, vector<1024x400xf32>
    %convert_element_type3A_4 = arith.truncf %get3A_3 : vector<1024x400xf32> to vector<1024x400xbf16>
    %get3A_5 = arith.constant 0 : index
    %get3A_6 = arith.constant 0 : index
    %get3A_7 = vector.load %arg13[%get3A_5, %get3A_6] : memref<1024x400xbf16, #tpu.memory_space<vmem>>, vector<1024x400xbf16>
    %dot_general3A = arith.constant dense<0.000000e+00> : vector<1024x1024xf32>
    %dot_general3A_8 = tpu.matmul %convert_element_type3A_4, %get3A_7, %dot_general3A {dimension_numbers = #tpu.dot_dimension_numbers<[1], [1], [0], [0], [0, 0, 1, 0], [], []>, transpose_lhs_hint = false} : vector<1024x400xbf16>, vector<1024x400xbf16>, vector<1024x1024xf32> -> vector<1024x1024xf32>
    %max3A = arith.constant 0.000000e+00 : f32
    %max3A_9 = vector.broadcast %max3A : f32 to vector<1024x1024xf32>
    %max3A_10 = arith.maximumf %dot_general3A_8, %max3A_9 : vector<1024x1024xf32>
    %convert_element_type3A_11 = arith.truncf %max3A_10 : vector<1024x1024xf32> to vector<1024x1024xbf16>
    %get3A_12 = arith.constant 0 : index
    %get3A_13 = arith.constant 0 : index
    %get3A_14 = vector.load %arg14[%get3A_12, %get3A_13] : memref<512x1024xbf16, #tpu.memory_space<vmem>>, vector<512x1024xbf16>
    %dot_general3A_15 = arith.constant dense<0.000000e+00> : vector<1024x512xf32>
    %dot_general3A_16 = tpu.matmul %convert_element_type3A_11, %get3A_14, %dot_general3A_15 {dimension_numbers = #tpu.dot_dimension_numbers<[1], [1], [0], [0], [0, 0, 1, 0], [], []>, transpose_lhs_hint = false} : vector<1024x1024xbf16>, vector<512x1024xbf16>, vector<1024x512xf32> -> vector<1024x512xf32>
    %get3A_17 = arith.constant 0 : index
    %get3A_18 = arith.constant 0 : index
    %get3A_19 = vector.load %arg6[%get3A_17, %get3A_18] : memref<1x512xf32, #tpu.memory_space<vmem>>, vector<1x512xf32>
    %add3A = vector.broadcast %get3A_19 : vector<1x512xf32> to vector<1024x512xf32>
    %add3A_20 = arith.addf %dot_general3A_16, %add3A : vector<1024x512xf32>
    %max3A_21 = arith.constant 0.000000e+00 : f32
    %max3A_22 = vector.broadcast %max3A_21 : f32 to vector<1024x512xf32>
    %max3A_23 = arith.maximumf %add3A_20, %max3A_22 : vector<1024x512xf32>
    %convert_element_type3A_24 = arith.truncf %max3A_23 : vector<1024x512xf32> to vector<1024x512xbf16>
    %get3A_25 = arith.constant 0 : index
    %get3A_26 = arith.constant 0 : index
    %get3A_27 = vector.load %arg15[%get3A_25, %get3A_26] : memref<256x512xbf16, #tpu.memory_space<vmem>>, vector<256x512xbf16>
    %dot_general3A_28 = arith.constant dense<0.000000e+00> : vector<1024x256xf32>
    %dot_general3A_29 = tpu.matmul %convert_element_type3A_24, %get3A_27, %dot_general3A_28 {dimension_numbers = #tpu.dot_dimension_numbers<[1], [1], [0], [0], [0, 0, 1, 0], [], []>, transpose_lhs_hint = false} : vector<1024x512xbf16>, vector<256x512xbf16>, vector<1024x256xf32> -> vector<1024x256xf32>
    %get3A_30 = arith.constant 0 : index
    %get3A_31 = arith.constant 0 : index
    %get3A_32 = vector.load %arg8[%get3A_30, %get3A_31] : memref<1x256xf32, #tpu.memory_space<vmem>>, vector<1x256xf32>
    %add3A_33 = vector.broadcast %get3A_32 : vector<1x256xf32> to vector<1024x256xf32>
    %add3A_34 = arith.addf %dot_general3A_29, %add3A_33 : vector<1024x256xf32>
    %max3A_35 = arith.constant 0.000000e+00 : f32
    %max3A_36 = vector.broadcast %max3A_35 : f32 to vector<1024x256xf32>
    %max3A_37 = arith.maximumf %add3A_34, %max3A_36 : vector<1024x256xf32>
    %get3A_38 = arith.constant 0 : index
    %get3A_39 = arith.constant 0 : index
    %get3A_40 = vector.load %arg2[%get3A_38, %get3A_39] : memref<1024x256xf32, #tpu.memory_space<vmem>>, vector<1024x256xf32>
    %get3A_41 = arith.constant 0 : index
    %get3A_42 = arith.constant 0 : index
    %get3A_43 = vector.load %arg10[%get3A_41, %get3A_42] : memref<1x256xf32, #tpu.memory_space<vmem>>, vector<1x256xf32>
    %mul3A = vector.broadcast %get3A_43 : vector<1x256xf32> to vector<1024x256xf32>
    %mul3A_44 = arith.mulf %get3A_40, %mul3A : vector<1024x256xf32>
    %reduce_sum3A = arith.constant dense<0.000000e+00> : vector<1024xf32>
    %reduce_sum3A_45 = vector.multi_reduction <add>, %mul3A_44, %reduce_sum3A [1] : vector<1024x256xf32> to vector<1024xf32>
    %broadcast_in_dim3A = vector.shape_cast %reduce_sum3A_45 : vector<1024xf32> to vector<1024x1xf32>
    %get3A_46 = arith.constant 0 : index
    %get3A_47 = arith.constant 0 : index
    %get3A_48 = vector.load %arg9[%get3A_46, %get3A_47] : memref<1x256xf32, #tpu.memory_space<vmem>>, vector<1x256xf32>
    %dot_general3A_49 = arith.constant dense<0.000000e+00> : vector<1024x1xf32>
    %dot_general3A_50 = tpu.matmul %max3A_37, %get3A_48, %dot_general3A_49 {dimension_numbers = #tpu.dot_dimension_numbers<[1], [1], [0], [0], [0, 0, 1, 0], [], []>, transpose_lhs_hint = false} : vector<1024x256xf32>, vector<1x256xf32>, vector<1024x1xf32> -> vector<1024x1xf32>
    %add3A_51 = arith.addf %dot_general3A_50, %broadcast_in_dim3A : vector<1024x1xf32>
    %get3A_52 = arith.constant 0 : index
    %get3A_53 = arith.constant 0 : index
    %get3A_54 = memref.load %arg11[%get3A_52, %get3A_53] : memref<1x1xf32, #tpu.memory_space<smem>>
    %add3A_55 = vector.broadcast %get3A_54 : f32 to vector<1024x1xf32>
    %add3A_56 = arith.addf %add3A_51, %add3A_55 : vector<1024x1xf32>
    %neg3A = arith.constant 0.000000e+00 : f32
    %neg3A_57 = vector.broadcast %neg3A : f32 to vector<1024x1xf32>
    %neg3A_58 = arith.subf %neg3A_57, %add3A_56 : vector<1024x1xf32>
    %exp3A = math.exp %neg3A_58 : vector<1024x1xf32>
    %add3A_59 = arith.constant 1.000000e+00 : f32
    %add3A_60 = vector.broadcast %add3A_59 : f32 to vector<1024x1xf32>
    %add3A_61 = arith.addf %add3A_60, %exp3A : vector<1024x1xf32>
    %div3A = arith.constant 1.000000e+00 : f32
    %div3A_62 = vector.broadcast %div3A : f32 to vector<1024x1xf32>
    %div3A_63 = arith.divf %div3A_62, %add3A_61 : vector<1024x1xf32>
    %swap3A = arith.constant 0 : index
    %swap3A_64 = arith.constant 0 : index
    %swap3A_65 = vector.load %arg12[%swap3A, %swap3A_64] : memref<1024x1xf32, #tpu.memory_space<vmem>>, vector<1024x1xf32>
    tpu.vector_store %arg12[%swap3A, %swap3A_64], %div3A_63 {strides = array<i32>} : memref<1024x1xf32, #tpu.memory_space<vmem>>, vector<1024x1xf32>,
    return
  }
  func.func @transform_0(%arg0: i32) -> (i32, i32) {
    %c0_i32 = arith.constant 0 : i32
    %c0_i32_0 = arith.constant 0 : i32
    return %arg0, %c0_i32 : i32, i32
  }
  func.func @transform_1(%arg0: i32) -> (i32, i32) {
    %c0_i32 = arith.constant 0 : i32
    %c0_i32_0 = arith.constant 0 : i32
    return %arg0, %c0_i32 : i32, i32
  }
  func.func @transform_2(%arg0: i32) -> (i32, i32) {
    %c0_i32 = arith.constant 0 : i32
    %c0_i32_0 = arith.constant 0 : i32
    %c0_i32_1 = arith.constant 0 : i32
    return %c0_i32, %c0_i32_0 : i32, i32
  }
  func.func @transform_3(%arg0: i32) -> (i32, i32) {
    %c0_i32 = arith.constant 0 : i32
    %c0_i32_0 = arith.constant 0 : i32
    %c0_i32_1 = arith.constant 0 : i32
    return %c0_i32, %c0_i32_0 : i32, i32
  }
  func.func @transform_4(%arg0: i32) -> (i32, i32) {
    %c0_i32 = arith.constant 0 : i32
    %c0_i32_0 = arith.constant 0 : i32
    %c0_i32_1 = arith.constant 0 : i32
    return %c0_i32, %c0_i32_0 : i32, i32
  }
  func.func @transform_5(%arg0: i32) -> (i32, i32) {
    %c0_i32 = arith.constant 0 : i32
    %c0_i32_0 = arith.constant 0 : i32
    %c0_i32_1 = arith.constant 0 : i32
    return %c0_i32, %c0_i32_0 : i32, i32
  }
  func.func @transform_6(%arg0: i32) -> (i32, i32) {
    %c0_i32 = arith.constant 0 : i32
    %c0_i32_0 = arith.constant 0 : i32
    %c0_i32_1 = arith.constant 0 : i32
    return %c0_i32, %c0_i32_0 : i32, i32
  }
  func.func @transform_7(%arg0: i32) -> (i32, i32) {
    %c0_i32 = arith.constant 0 : i32
    %c0_i32_0 = arith.constant 0 : i32
    %c0_i32_1 = arith.constant 0 : i32
    return %c0_i32, %c0_i32_0 : i32, i32
  }
  func.func @transform_8(%arg0: i32) -> (i32, i32) {
    %c0_i32 = arith.constant 0 : i32
    %c0_i32_0 = arith.constant 0 : i32
    %c0_i32_1 = arith.constant 0 : i32
    return %c0_i32, %c0_i32_0 : i32, i32
  }
  func.func @transform_9(%arg0: i32) -> (i32, i32) {
    %c0_i32 = arith.constant 0 : i32
    %c0_i32_0 = arith.constant 0 : i32
    %c0_i32_1 = arith.constant 0 : i32
    return %c0_i32, %c0_i32_0 : i32, i32
  }
  func.func @transform_10(%arg0: i32) -> (i32, i32) {
    %c0_i32 = arith.constant 0 : i32
    %c0_i32_0 = arith.constant 0 : i32
    %c0_i32_1 = arith.constant 0 : i32
    return %c0_i32, %c0_i32_0 : i32, i32
  }
  func.func @transform_11(%arg0: i32) -> (i32, i32) {
    %c0_i32 = arith.constant 0 : i32
    %c0_i32_0 = arith.constant 0 : i32
    return %arg0, %c0_i32 : i32, i32
  }
}

</mosaic_0001>

<sc_bundles>
// kernel: kernel.4.cloned.1.call-start
scs
__scs_entry_jumppad:
0x0: {  	(pc) =	sbr.rel $0x88, $3  }
0x1: {  	(tag) =	ssettag $0x0;
	lr =	simm.s32 $0x1  }
0x2: {  	[smem:$0x3F8F] =	sst lr;
	_ =	strace $0xD0000000  }
0x3: {  	_ = 	snop  }
0x4: {  	_ = 	snop  }
0x5: {  	_ = 	snop  }
0x6: {  	_ = 	snop  }
0x7: {  	_ = 	snop  }
__scs_overlays_trampoline_lowered:
0x8: {  	[smem:$0x3F9E] =	sst s0  }
0x9: {  	[smem:$0x3F9F] =	sst s1  }
0xa: {  	[smem:$0x3FA0] =	sst s2  }
0xb: {  	[smem:$0x3FA1] =	sst s3  }
0xc: {  	[smem:$0x3FA2] =	sst s4  }
0xd: {  	[smem:$0x3FA3] =	sst s5  }
0xe: {  	[smem:$0x3FA4] =	sst s6  }
0xf: {  	[smem:$0x3FA5] =	sst s7  }
0x10: {  	[smem:$0x3FA6] =	sst s8  }
0x11: {  	[smem:$0x3FA7] =	sst s9;
	s0 =	simm.s32 @!p0 $0x0  }
0x12: {  	s1 =	sld [smem:$0x3F8D];
	s0 =	simm.s32 @p0 $0x1  }
0x13: {  	[smem:$0x3FA8] =	sst s0;
	s0 =	simm.s32 @!p1 $0x0  }
0x14: {  	s2 =	sld [smem:$0x3F8C];
	s0 =	simm.s32 @p1 $0x1  }
0x15: {  	[smem:$0x3FA9] =	sst s0;
	s0 =	simm.s32 @!p2 $0x0  }
0x16: {  	s3 =	sld [smem:$0x3FDB];
	s0 =	simm.s32 @p2 $0x1  }
0x17: {  	s4 =	simm.s32 $0x1BF5;
	[smem:$0x3FAB] =	sst s0  }
0x18: {  	s0 =	sld [smem:$0x3F8E];
	_ =	swait.ge [sflag:s4], $0x0  }
0x19: {  	s7 =	sld [smem:$0x3F8F]  }
0x1a: {  	s8 =	sadd.s32 $0xFFFFE003, lr  }
0x1b: {  	s9 =	sadd.s32 $0xFFFFFEF7, lr;
	s5 =	simm.s32 $0xFFFFFFFF;
	p2 =	slt.u32 s8, $0xFFFFF086  }
0x1c: {  	p1 =	slt.u32 s9, $0xF7A;
	s5 =	simm.s32 @!p2 $0x0  }
0x1d: {  	s5 =	simm.s32 @p1 $0x1;
	p0 =	seq.s32 s7, s2  }
0x1e: {  	s7 =	smul.u32 @!p0 $0xF7A, s2;
	p2 =	seq.s32 @!p0 s5, $0x0  }
0x1f: {  	s9 =	smul.u32 $0xF7A, s1;
	s8 =	simm.s32 @!p0 $0x1BF5;
	p2 =	por !p2, p0  }
0x20: {  	[sflag:s8] =	ssyncset.s32 @!p0 $0xFFFFF086;
	s6 =	sadd.s32 @!p0 s3, s7;
	s7 =	simm.s32 @!p0 $0x108  }
0x21: {  	s3 =	sadd.s32 s3, s9;
	s6 =	sadd.s32 @!p0 $0x88, s6;
	s7 =	simm.s32 @p2 $0x1082  }
0x22: {  	[simem:s7], [sflag:s8] =	dma.local @!p0 [hbm:s6], $0xF7A  }
0x23: {  	s9 =	sor.u32 $0xD0000000, s2;
	s6 =	simm.s32 $0x108;
	_ =	swait.ge @!p0 [sflag:s8], $0x0  }
0x24: {  	s3 =	sadd.s32 $0x88, s3;
	s6 =	simm.s32 @!p1 $0x1082;
	[sflag:s4] =	ssyncset.s32 $0xFFFFF086  }
0x25: {  	[simem:s6], [sflag:s4] =	dma.local [hbm:s3], $0xF7A  }
0x26: {  	[smem:$0x3F8F] =	sst s1;
	(tag) =	ssettag s2;
	_ =	strace s9  }
0x27: {  	s1 =	sld [smem:$0x3F9F]  }
0x28: {  	s2 =	sld [smem:$0x3FA0]  }
0x29: {  	s4 =	sld [smem:$0x3FA2]  }
0x2a: {  	p0 =	seq.s32 s5, $0x0;
	s5 =	sld [smem:$0x3FA3]  }
0x2b: {  	s6 =	sld [smem:$0x3FA4]  }
0x2c: {  	s7 =	sld [smem:$0x3FA5]  }
0x2d: {  	s3 =	simm.s32 $0x108;
	s8 =	sld [smem:$0x3FA6]  }
0x2e: {  	s3 =	simm.s32 @!p0 $0x1082;
	s9 =	sld [smem:$0x3FA7]  }
0x2f: {  	lr =	sadd.s32 s0, s3;
	s0 =	sld [smem:$0x3F9E]  }
0x30: {  	s3 =	sld [smem:$0x3FA1]  }
0x31: {  	[smem:$0x3FAA] =	sst s10  }
0x32: {  	s10 =	sld [smem:$0x3FA8];
	_ =	sdelay $0x3  }
0x33: {  	p0 =	seq.s32 s10, $0x1;
	s10 =	sld [smem:$0x3FAA];
	_ =	sdelay $0x3  }
0x34: {  	[smem:$0x3FAA] =	sst s10  }
0x35: {  	s10 =	sld [smem:$0x3FA9];
	_ =	sdelay $0x3  }
0x36: {  	p1 =	seq.s32 s10, $0x1;
	s10 =	sld [smem:$0x3FAA];
	_ =	sdelay $0x3  }
0x37: {  	[smem:$0x3FAA] =	sst s10  }
0x38: {  	s10 =	sld [smem:$0x3FAB]  }
0x39: {  	_ = 	snop;
	(pc) =	sbr.ind lr, $3  }
0x3a: {  	_ = 	snop  }
0x3b: {  	_ = 	snop  }
0x3c: {  	p2 =	seq.s32 s10, $0x1;
	s10 =	sld [smem:$0x3FAA]  }
0x3d: {  	_ =	shalt  }
0x3e: {  	_ =	shalt  }
0x3f: {  	_ =	shalt  }
0x40: {  	_ =	shalt  }
0x41: {  	_ =	shalt  }
0x42: {  	_ =	shalt  }
0x43: {  	_ =	shalt  }
0x44: {  	_ =	shalt  }
0x45: {  	_ =	shalt  }
0x46: {  	_ =	shalt  }
0x47: {  	_ =	shalt  }
0x48: {  	_ =	shalt  }
0x49: {  	_ =	shalt  }
0x4a: {  	_ =	shalt  }
0x4b: {  	_ =	shalt  }
0x4c: {  	_ =	shalt  }
0x4d: {  	_ =	shalt  }
0x4e: {  	_ =	shalt  }
0x4f: {  	_ =	shalt  }
0x50: {  	_ =	shalt  }
0x51: {  	_ =	shalt  }
0x52: {  	_ =	shalt  }
0x53: {  	_ =	shalt  }
0x54: {  	_ =	shalt  }
0x55: {  	_ =	shalt  }
0x56: {  	_ =	shalt  }
0x57: {  	_ =	shalt  }
0x58: {  	_ =	shalt  }
0x59: {  	_ =	shalt  }
0x5a: {  	_ =	shalt  }
0x5b: {  	_ =	shalt  }
0x5c: {  	_ =	shalt  }
0x5d: {  	_ =	shalt  }
0x5e: {  	_ =	shalt  }
0x5f: {  	_ =	shalt  }
0x60: {  	_ =	shalt  }
0x61: {  	_ =	shalt  }
0x62: {  	_ =	shalt  }
0x63: {  	_ =	shalt  }
0x64: {  	_ =	shalt  }
0x65: {  	_ =	shalt  }
0x66: {  	_ =	shalt  }
0x67: {  	_ =	shalt  }
0x68: {  	_ =	shalt  }
0x69: {  	_ =	shalt  }
0x6a: {  	_ =	shalt  }
0x6b: {  	_ =	shalt  }
0x6c: {  	_ =	shalt  }
0x6d: {  	_ =	shalt  }
0x6e: {  	_ =	shalt  }
0x6f: {  	_ =	shalt  }
0x70: {  	_ =	shalt  }
0x71: {  	_ =	shalt  }
0x72: {  	_ =	shalt  }
0x73: {  	_ =	shalt  }
0x74: {  	_ =	shalt  }
0x75: {  	_ =	shalt  }
0x76: {  	_ =	shalt  }
0x77: {  	_ =	shalt  }
0x78: {  	_ =	shalt  }
0x79: {  	_ =	shalt  }
0x7a: {  	_ =	shalt  }
0x7b: {  	_ =	shalt  }
0x7c: {  	_ =	shalt  }
0x7d: {  	_ =	shalt  }
0x7e: {  	_ =	shalt  }
0x7f: {  	_ =	shalt  }
0x80: {  	_ =	shalt  }
0x81: {  	_ =	shalt  }
0x82: {  	_ =	shalt  }
0x83: {  	_ =	shalt  }
0x84: {  	_ =	shalt  }
0x85: {  	_ =	shalt  }
0x86: {  	_ =	shalt  }
0x87: {  	_ =	shalt  }
.Lfunc_end0:
.L_simem_size_0:
called_computation_lowered:
.L_overlay_start_0:
0x88: {  	s2 =	sld [smem:$0x3FD9]  }
0x89: {  	s3 =	sld [smem:$0x3FFE];
	_ =	sdelay $0x1  }
0x8a: {  	s1 =	srdreg.scid  }
0x8b: {  	s0 =	sand.u32 $0x1, s1  }
0x8c: {  	s17 =	sshll.u32 s0, $0xA;
	s2 =	sadd.s32 s3, s2  }
0x8d: {  	s2 =	sadd.s32 s2, s17  }
0x8e: {  	[smem:$0x3FB6] =	sst s2  }
0x8f: {  	_ = 	snop  }
0x90: {  	s2 =	sld [smem:$0x3FC8]  }
0x91: {  	s18 =	sld [smem:$0x3FC7]  }
0x92: {  	s4 =	sld [smem:$0x3FC6]  }
0x93: {  	s5 =	sld [smem:$0x3FC2]  }
0x94: {  	s6 =	sld [smem:$0x3FC1]  }
0x95: {  	s7 =	sld [smem:$0x3FC0];
	(tm) =	ssettm $0x1  }
0x96: {  	s8 =	sld [smem:$0x3FFB];
	_ =	sdelay $0x3  }
0x97: {  	_ =	strace s8  }
0x98: {  	s8 =	sld [smem:$0x3FFC];
	_ =	sdelay $0x3  }
0x99: {  	_ =	strace s8  }
0x9a: {  	s8 =	sld [smem:$0x3FFD];
	_ =	sdelay $0x3  }
0x9b: {  	_ =	strace s8  }
0x9c: {  	_ =	strace $0x8FFFFFFF  }
0x9d: {  	s19 =	sld [smem:$0x3FDB];
	_ =	sdelay $0x1  }
0x9e: {  	s9 =	simm.s32 $_scs_section_size  }
0x9f: {  	s10 =	simm.s32 $_size__tile_overlayer_lowered;
	s11 =	simm.s32 $_tile_overlayer_lowered  }
0xa0: {  	s22 =	simm.s32 $0x1BFF;
	s21 =	sshll.u32 s11, $0x1;
	s8 =	sadd.s32 s9, s19  }
0xa1: {  	s12 =	simm.s32 $0x0;
	s20 =	sshll.u32 s10, $0x1;
	s10 =	sadd.s32 s21, s8  }
0xa2: {  	[timem:s12], [sflag:s22] =	dma.local [hbm:s10], s20  }
0xa3: {  	_ =	swait.ge [sflag:s22], s20  }
0xa4: {  	s9 =	ssub.s32 $0x0, s20;
	[sflag:s22] =	ssyncset.done $0x0  }
0xa5: {  	[sflag:s22] =	ssyncadd.s32 s9;
	_ =	sdelay $0x1  }
0xa6: {  	s23 =	simm.s32 $0x1B8B  }
0xa7: {  	_ =	swait.ge [sflag:s23], $0x1  }
0xa8: {  	[sflag:s23] =	ssyncset.done $0x0  }
0xa9: {  	s25 =	simm.s32 $0x1B8E;
	s24 =	sld [smem:$0x3FFE];
	[sflag:s23] =	ssyncadd.s32 $0xFFFFFFFF  }
0xaa: {  	s26 =	simm.s32 $execute0_lowered;
	[smem:$0x3FD2] =	sst s25  }
0xab: {  	s10 =	sshll.u32 s26, $0x1;
	_ =	strace $0x80000046;
	[dreg:$0x1] =	wrdreg $0xFFFFFFFF  }
0xac: {  	s28 =	simm.s32 $_size_execute0_lowered;
	s8 =	sadd.s32 s8, s10;
	[dreg:$0x0] =	wrdreg $0x0  }
0xad: {  	s10 =	sshll.u32 s28, $0x1;
	[dreg:$0x2] =	wrdreg s8  }
0xae: {  	[dreg:$0x3] =	wrdreg s10  }
0xaf: {  	[dreg:$0x4] =	wrdreg $0xC0  }
0xb0: {  	_ =	task [dreg:s12], $0x5FFFF  }
0xb1: {  	[dreg:$0x1] =	wrdreg $0xFFFFFFFF  }
0xb2: {  	[dreg:$0x0] =	wrdreg $0x60  }
0xb3: {  	[dreg:$0x2] =	wrdreg s5  }
0xb4: {  	[dreg:$0x3] =	wrdreg s6  }
0xb5: {  	[dreg:$0x4] =	wrdreg s7  }
0xb6: {  	[dreg:$0x5] =	wrdreg s2  }
0xb7: {  	[dreg:$0x6] =	wrdreg s18  }
0xb8: {  	[dreg:$0x7] =	wrdreg s4  }
0xb9: {  	[dreg:$0x8] =	wrdreg s24  }
0xba: {  	[dreg:$0x9] =	wrdreg $0x9  }
0xbb: {  	_ =	task.clear_ibuf [dreg:s12], $0xAFFFF;
	_ =	strace $0x90000046  }
0xbc: {  	s29 =	simm.s32 $0x9;
	_ =	strace $0x80000048  }
0xbd: {  	_ =	swait.ge [sflag:s29], $0x1  }
0xbe: {  	[sflag:s29] =	ssyncadd.s32 $0xFFFFFFFF  }
0xbf: {  	_ =	strace $0x90000048  }
0xc0: {  	_ =	sfence  }
0xc1: {  	s30 =	sld [smem:$0x0];
	_ =	sdelay $0x2  }
0xc2: {  	s31 =	sshll.u32 s1, $0xD;
	s1 =	sshrl.u32 s1, $0x2  }
0xc3: {  	s3 =	sand.u32 $0x4000, s31;
	s1 =	sadd.s32 s1, s30  }
0xc4: {  	s0 =	sor.u32 s3, s0;
	s1 =	sshll.u32 s1, $0x11  }
0xc5: {  	s0 =	sor.u32 s1, s0  }
0xc6: {  	s0 =	sadd.s32 $0x8F2B, s0  }
0xc7: {  	[sflag:s0] =	ssyncadd.remote.s32 $0x1  }
0xc8: {  	_ =	sfence.sel $0xFFFF  }
0xc9: {  	[dreg:$0x0] =	wrdreg $0xFFFFFFFF;
	(pc) =	sbr.abs _section_cstart, $3  }
0xca: {  	[dreg:$0x1] =	wrdreg $0xFFFFFFFF  }
0xcb: {  	_ =	task.clear_ibuf [dreg:s12], $0x2FFFF;
	_ =	strace $0x9FFFFFFF  }
0xcc: {  	(tm) =	ssettm $0x7FFFFFFF  }
0xcd: {  	_ =	shalt  }
tec
execute0_lowered:
.L_overlay_start_1:
0x0: {  	(tag) =	ssettag $0x1  }
0x1: {  	s0 =	rddreg [dreg:$0x0]  }
0x2: {  	s1 =	rddreg [dreg:$0x1]  }
0x3: {  	s3 =	rddreg [dreg:$0x2]  }
0x4: {  	s6 =	rddreg [dreg:$0x3]  }
0x5: {  	s8 =	rddreg [dreg:$0x4];
	s4 =	srdreg.scid  }
0x6: {  	s10 =	rddreg [dreg:$0x5];
	s2 =	stileid.u32;
	s28 =	sand.u32 $0x1, s4  }
0x7: {  	s18 =	rddreg [dreg:$0x6];
	s7 =	sshll.u32 s2, $0x8;
	s9 =	sshll.u32 s28, $0x7  }
0x8: {  	s5 =	simm.s32 $0x0;
	s4 =	rddreg [dreg:$0x7];
	s14 =	sor.u32 s9, s7  }
0x9: {  	[smem:$0x7FF] =	sst s5;
	s11 =	sshrl.u32 s14, $0x3  }
0xa: {  	_ =	strace $0x80000047;
	s7 =	simm.s32 $0x5;
	s6 =	sadd.s32 s6, s11  }
0xb: {  	[tilespmem:s5], [sflag:$0x5] =	stream.linear.gather [hbm4b:s6+s5], $0x80, $0x38;
	[tilespmem:$0x10180] =	vst v63  }
0xc: {  	_ =	swait.ge [sflag:s7], $0x80  }
0xd: {  	[sflag:s7] =	ssyncset.done $0x0  }
0xe: {  	s9 =	simm.s32 $0x80;
	s8 =	sadd.s32 s8, s11;
	[sflag:s7] =	ssyncadd.s32 $0xFFFFFF80  }
0xf: {  	[tilespmem:s9], [sflag:$0x5] =	stream.linear.gather [hbm4b:s8+s5], $0x80, $0x38;
	[tilespmem:$0x10180] =	vst v63  }
0x10: {  	_ =	swait.ge [sflag:s7], $0x80  }
0x11: {  	[sflag:s7] =	ssyncset.done $0x0  }
0x12: {  	s10 =	sadd.s32 s10, s11;
	s11 =	simm.s32 $0x100;
	[sflag:s7] =	ssyncadd.s32 $0xFFFFFF80  }
0x13: {  	[tilespmem:s11], [sflag:$0x5] =	stream.linear.gather [hbm4b:s10+s5], $0x80, $0x38;
	[tilespmem:$0x10180] =	vst v63  }
0x14: {  	_ =	swait.ge [sflag:s7], $0x80  }
0x15: {  	[sflag:s7] =	ssyncset.done $0x0  }
0x16: {  	s12 =	simm.s32 $0x180;
	[sflag:s7] =	ssyncadd.s32 $0xFFFFFF80  }
0x17: {  	[tilespmem:s12], [sflag:$0x1] =	stream.indirect.gather [hbm4b:s0+s9], $0x80, s5, s9, $0xb8;
	[tilespmem:$0x10180] =	vst v63  }
0x18: {  	s13 =	simm.s32 $0x4180;
	s15 =	sshll.u32 s14, $0x4  }
0x19: {  	[tilespmem:s13], [sflag:$0x2] =	stream.indirect.gather [hbm4b:s1+s9], $0x80, s9, s9, $0xb8;
	[tilespmem:$0x10180] =	vst v63  }
0x1a: {  	s19 =	sshll.u32 s14, $0x6;
	s14 =	simm.s32 $0x8180;
	s15 =	sadd.s32 s15, s18  }
0x1b: {  	[tilespmem:s14], [sflag:$0x3] =	stream.indirect.gather [hbm4b:s3+s9], $0x80, s11, s9, $0xb8;
	[tilespmem:$0x10180] =	vst v63  }
0x1c: {  	s16 =	simm.s32 $0xC180;
	s17 =	simm.s32 $0x1;
	s15 =	sadd.s32 $0x1800, s15  }
0x1d: {  	[tilespmem:s16], [sflag:$0x4] =	stream.linear.gather [hbm4b:s15+s5], $0x4000, $0x38;
	[tilespmem:$0x10180] =	vst v63  }
0x1e: {  	s20 =	simm.s32 $0x1000;
	_ =	swait.ge [sflag:s17], $0x4000  }
0x1f: {  	s21 =	simm.s32 $0x2;
	s26 =	sadd.s32 s19, s18;
	[sflag:s17] =	ssyncset.done $0x0  }
0x20: {  	s19 =	simm.s32 $0x400;
	s18 =	sadd.s32 $0x11800, s26;
	[sflag:s17] =	ssyncadd.s32 $0xFFFFC000  }
0x21: {  	[hbm4b:s18+s19] =	stream.strided.scatter [tilespmem:s12], [sflag:$0x1], $0x4000, s20, s19, $0x38;
	[tilespmem:$0x10180] =	vst v63  }
0x22: {  	_ =	swait.ge [sflag:s21], $0x4000  }
0x23: {  	[sflag:s21] =	ssyncset.done $0x0  }
0x24: {  	s23 =	simm.s32 $0x3;
	s22 =	sadd.s32 $0x11880, s26;
	[sflag:s21] =	ssyncadd.s32 $0xFFFFC000  }
0x25: {  	[hbm4b:s22+s19] =	stream.strided.scatter [tilespmem:s13], [sflag:$0x2], $0x4000, s20, s19, $0x38;
	[tilespmem:$0x10180] =	vst v63  }
0x26: {  	_ =	swait.ge [sflag:s23], $0x4000  }
0x27: {  	[sflag:s23] =	ssyncset.done $0x0  }
0x28: {  	s25 =	simm.s32 $0x4;
	s24 =	sadd.s32 $0x11900, s26;
	[sflag:s23] =	ssyncadd.s32 $0xFFFFC000  }
0x29: {  	[hbm4b:s24+s19] =	stream.strided.scatter [tilespmem:s14], [sflag:$0x3], $0x4000, s20, s19, $0x38;
	[tilespmem:$0x10180] =	vst v63  }
0x2a: {  	_ =	swait.ge [sflag:s25], $0x4000  }
0x2b: {  	[sflag:s25] =	ssyncset.done $0x0  }
0x2c: {  	s26 =	sadd.s32 $0x11980, s26;
	[sflag:s25] =	ssyncadd.s32 $0xFFFFC000  }
0x2d: {  	[hbm4b:s26+s19] =	stream.strided.scatter [tilespmem:s16], [sflag:$0x4], $0x4000, s20, s19, $0x38;
	[tilespmem:$0x10180] =	vst v63  }
0x2e: {  	_ =	swait.ge [sflag:s17], $0x4000  }
0x2f: {  	s28 =	ssub.s32 $0x2, s28;
	[sflag:s17] =	ssyncset.done $0x0  }
0x30: {  	s29 =	sshrl.u32 s28, $0x1;
	[sflag:s17] =	ssyncadd.s32 $0xFFFFC000  }
0x31: {  	s28 =	ssub.s32 s28, s29;
	_ =	swait.ge [sflag:s21], $0x4000  }
0x32: {  	s28 =	smax.u32 s28, $0x1;
	[sflag:s21] =	ssyncset.done $0x0  }
0x33: {  	p0 =	sne.s32 s28, $0x1;
	[sflag:s21] =	ssyncadd.s32 $0xFFFFC000  }
.Ltmp0:
0x34: {  	_ =	swait.ge [sflag:s23], $0x4000;
	(pc) =	sbr.rel @!p0 .LBB2_2-.Ltmp0, $4  }
0x35: {  	[sflag:s23] =	ssyncset.done $0x0  }
0x36: {  	[sflag:s23] =	ssyncadd.s32 $0xFFFFC000  }
0x37: {  	_ =	swait.ge [sflag:s25], $0x4000  }
0x38: {  	s28 =	sadd.s32 $0xFFFFFFFF, s28;
	[sflag:s25] =	ssyncset.done $0x0  }
.LBB2_1:
0x39: {  	p0 =	sne.s32 s28, $0x1;
	s28 =	sadd.s32 $0xFFFFFFFF, s28;
	[sflag:s25] =	ssyncadd.s32 $0xFFFFC000  }
0x3a: {  	[tilespmem:s5], [sflag:$0x5] =	stream.linear.gather [hbm4b:s6+s5], $0x80, $0x38;
	[tilespmem:$0x10180] =	vst v63  }
0x3b: {  	_ =	swait.ge [sflag:s7], $0x80  }
0x3c: {  	[sflag:s7] =	ssyncset.done $0x0  }
0x3d: {  	[sflag:s7] =	ssyncadd.s32 $0xFFFFFF80  }
0x3e: {  	[tilespmem:s9], [sflag:$0x5] =	stream.linear.gather [hbm4b:s8+s5], $0x80, $0x38;
	[tilespmem:$0x10180] =	vst v63  }
0x3f: {  	_ =	swait.ge [sflag:s7], $0x80  }
0x40: {  	[sflag:s7] =	ssyncset.done $0x0  }
0x41: {  	[sflag:s7] =	ssyncadd.s32 $0xFFFFFF80  }
0x42: {  	[tilespmem:s11], [sflag:$0x5] =	stream.linear.gather [hbm4b:s10+s5], $0x80, $0x38;
	[tilespmem:$0x10180] =	vst v63  }
0x43: {  	_ =	swait.ge [sflag:s7], $0x80  }
0x44: {  	[sflag:s7] =	ssyncset.done $0x0  }
0x45: {  	[sflag:s7] =	ssyncadd.s32 $0xFFFFFF80  }
0x46: {  	[tilespmem:s12], [sflag:$0x1] =	stream.indirect.gather [hbm4b:s0+s9], $0x80, s5, s9, $0xb8;
	[tilespmem:$0x10180] =	vst v63  }
0x47: {  	_ = 	snop  }
0x48: {  	[tilespmem:s13], [sflag:$0x2] =	stream.indirect.gather [hbm4b:s1+s9], $0x80, s9, s9, $0xb8;
	[tilespmem:$0x10180] =	vst v63  }
0x49: {  	_ = 	snop  }
0x4a: {  	[tilespmem:s14], [sflag:$0x3] =	stream.indirect.gather [hbm4b:s3+s9], $0x80, s11, s9, $0xb8;
	[tilespmem:$0x10180] =	vst v63  }
0x4b: {  	_ = 	snop  }
0x4c: {  	[tilespmem:s16], [sflag:$0x4] =	stream.linear.gather [hbm4b:s15+s5], $0x4000, $0x38;
	[tilespmem:$0x10180] =	vst v63  }
0x4d: {  	_ =	swait.ge [sflag:s17], $0x4000  }
0x4e: {  	[sflag:s17] =	ssyncset.done $0x0  }
0x4f: {  	[sflag:s17] =	ssyncadd.s32 $0xFFFFC000  }
0x50: {  	[hbm4b:s18+s19] =	stream.strided.scatter [tilespmem:s12], [sflag:$0x1], $0x4000, s20, s19, $0x38;
	[tilespmem:$0x10180] =	vst v63  }
0x51: {  	_ =	swait.ge [sflag:s21], $0x4000  }
0x52: {  	[sflag:s21] =	ssyncset.done $0x0  }
0x53: {  	[sflag:s21] =	ssyncadd.s32 $0xFFFFC000  }
0x54: {  	[hbm4b:s22+s19] =	stream.strided.scatter [tilespmem:s13], [sflag:$0x2], $0x4000, s20, s19, $0x38;
	[tilespmem:$0x10180] =	vst v63  }
0x55: {  	_ =	swait.ge [sflag:s23], $0x4000  }
0x56: {  	[sflag:s23] =	ssyncset.done $0x0  }
0x57: {  	[sflag:s23] =	ssyncadd.s32 $0xFFFFC000  }
0x58: {  	[hbm4b:s24+s19] =	stream.strided.scatter [tilespmem:s14], [sflag:$0x3], $0x4000, s20, s19, $0x38;
	[tilespmem:$0x10180] =	vst v63  }
0x59: {  	_ =	swait.ge [sflag:s25], $0x4000  }
0x5a: {  	[sflag:s25] =	ssyncset.done $0x0  }
0x5b: {  	[sflag:s25] =	ssyncadd.s32 $0xFFFFC000  }
0x5c: {  	[hbm4b:s26+s19] =	stream.strided.scatter [tilespmem:s16], [sflag:$0x4], $0x4000, s20, s19, $0x38;
	[tilespmem:$0x10180] =	vst v63  }
0x5d: {  	_ =	swait.ge [sflag:s17], $0x4000  }
0x5e: {  	[sflag:s17] =	ssyncset.done $0x0  }
0x5f: {  	[sflag:s17] =	ssyncadd.s32 $0xFFFFC000  }
0x60: {  	_ =	swait.ge [sflag:s21], $0x4000  }
0x61: {  	[sflag:s21] =	ssyncset.done $0x0  }
0x62: {  	[sflag:s21] =	ssyncadd.s32 $0xFFFFC000  }
.Ltmp1:
0x63: {  	_ =	swait.ge [sflag:s23], $0x4000;
	(pc) =	sbr.rel @p0 .LBB2_1-.Ltmp1, $4  }
0x64: {  	[sflag:s23] =	ssyncset.done $0x0  }
0x65: {  	[sflag:s23] =	ssyncadd.s32 $0xFFFFC000  }
0x66: {  	_ =	swait.ge [sflag:s25], $0x4000  }
0x67: {  	[sflag:s25] =	ssyncset.done $0x0  }
.LBB2_2:
0x68: {  	[sflag:s25] =	ssyncadd.s32 $0xFFFFC000  }
0x69: {  	_ =	sfence.sel $0x180000  }
0x6a: {  	[bflag:$0x0] =	sbarrier.arrive $0xFFFF  }
0x6b: {  	p0 =	sne.s32 s2, $0x0;
	_ =	strace $0x90000047  }
0x6c: {  	s0 =	sadd.s32 @!p0 $0x100000, s4;
	[bflag:$0x2] =	sbarrier.arrive $0xFFFF  }
0x6d: {  	[sflag:s0] =	ssyncadd.tile.s32 @!p0 $0x1;
	_ =	shalt  }
.Lfunc_end2:
_tile_overlayer_lowered:
.L_overlay_start_2:
0x6e: {  	(tag) =	ssettag $0x2  }
0x6f: {  	s0 =	rddreg [dreg:$0x0];
	s2 =	stileid.u32  }
0x70: {  	s1 =	rddreg [dreg:$0x1];
	p0 =	sne.s32 s2, $0x0  }
0x71: {  	s3 =	rddreg [dreg:$0x2];
	[bflag:$0x3] =	sbarrier.arrive $0xFFFF;
	s2 =	simm.s32 @!p0 $0x1C05  }
0x72: {  	[timem:s3], [sflag:s2] =	dma.local @!p0 [hbm:s0], s1  }
0x73: {  	s0 =	simm.s32 @!p0 $0x5  }
0x74: {  	_ =	swait.ge @!p0 [sflag:s0], s1  }
0x75: {  	s1 =	ssub.s32 @!p0 $0x0, s1;
	[sflag:s0] =	ssyncset.done @!p0 $0x0  }
0x76: {  	[sflag:s0] =	ssyncadd.s32 @!p0 s1  }
0x77: {  	[bflag:$0x3] =	sbarrier.arrive $0xFFFF  }
0x78: {  	_ =	shalt  }

</sc_bundles>
